<compile_context>
chip_gen: v7x
topology: tpu7x:2x2x1
jax: 0.10.2.dev20260603
libtpu: 0.0.44.dev20260713+nightly
codegen_flags: <defaults>
</compile_context>

<pallas_src>
import jax
import jax.numpy as jnp
from jax import lax
from jax.experimental import pallas as pl
from jax.experimental.pallas import tpu as pltpu
from jax.experimental.pallas import tpu_sc as plsc

_info = plsc.get_sparse_core_info()
NC, NS = _info.num_cores, _info.num_subcores
NW = NC * NS

CHUNK = 64


def _body(ids_hbm, table_hbm, out_hbm, sp, ssem0, ssem1):
    n_chunks = ids_hbm.shape[1]
    s = lax.axis_index("s")
    wid = s * NC + lax.axis_index("c")
    base = wid * (n_chunks * CHUNK)
    ssem = (ssem0, ssem1)

    def my_sp(b):
        return sp.at[pl.ds((2 * s + b) * CHUNK, CHUNK)]

    def scatter_start(j, b):
        pltpu.async_copy(my_sp(b), out_hbm.at[pl.ds(base + j * CHUNK, CHUNK)],
                         ssem[b])

    def scatter_wait(j, b):
        pltpu.make_async_copy(my_sp(b),
                              out_hbm.at[pl.ds(base + j * CHUNK, CHUNK)],
                              ssem[b]).wait()

    for b in range(2):
        scatter_start(b, b)

    def pair(g, carry):
        for b in range(2):
            j = 2 * g + b
            scatter_wait(j, b)
            scatter_start(j, b)
        return carry

    lax.fori_loop(1, n_chunks // 2, pair, 0)
    for b in range(2):
        scatter_wait(0, b)


def kernel(token_ids, table):
    b, s = token_ids.shape
    dim = table.shape[1]
    total = b * s
    n_chunks = total // (NW * CHUNK)
    ids3 = token_ids.astype(jnp.int32).reshape(NW, n_chunks, CHUNK)

    emb = pl.kernel(
        _body,
        out_type=jax.ShapeDtypeStruct((total, dim), jnp.float32),
        mesh=plsc.VectorSubcoreMesh(core_axis_name="c", subcore_axis_name="s"),
        scratch_types=[
            pltpu.VMEM_SHARED((2 * NS * CHUNK, dim), jnp.float32),
            pltpu.SemaphoreType.DMA,
            pltpu.SemaphoreType.DMA,
        ],
    )
    out = emb(ids3, table)
    return out.reshape(b, s, dim)

# --- scband reference (transcript-rebuilt; emitter-appended) ---
"""Pipeline reference for scband-stub-text-encoder-7576322310437 (READ-ONLY COPY).

The authoritative reference and input builder live on the scoring server;
editing this copy changes nothing except your own understanding.
"""

import jax, jax.numpy as jnp
import numpy as np

BYTE_VOCAB_SIZE = 256
EMBED_DIM = 768

def setup_inputs(seed: int = 0) -> dict:
    key = jax.random.key(seed)
    k1, k2 = jax.random.split(key)
    token_ids = jax.random.randint(k1, (4096, 77), 0, BYTE_VOCAB_SIZE, dtype=jnp.int64 if jax.config.read('jax_enable_x64') else jnp.int32)
    # Embedding table; padding_idx=0 row is zero-initialized (torch zeroes padding row)
    table = jax.random.normal(k2, (BYTE_VOCAB_SIZE, EMBED_DIM), dtype=jnp.float32)
    table = table.at[0].set(0.0)
    return {"token_ids": token_ids, "table": table}

def reference(token_ids, table):
    # nn.Embedding forward: pure gather of rows by token index
    return jnp.take(table, token_ids, axis=0)

if __name__ == "__main__":
    import jax
    _d = setup_inputs()
    print(jax.jit(kernel)(*tuple(_d.values())))

</pallas_src>

<mosaic_0001>
#map = affine_map<(d0, d1) -> (0, 0, 0)>
#map1 = affine_map<(d0, d1) -> (0, 0)>
module attributes {stable_mosaic.version = 14 : i64} {
  func.func @_body(%arg0: i32, %arg1: i32, %arg2: memref<32x154x64xi32, #tpu.memory_space<hbm>>, %arg3: memref<256x768xf32, #tpu.memory_space<hbm>>, %arg4: memref<315392x768xf32, #tpu.memory_space<hbm>>, %arg5: memref<2048x768xf32, #tpu.memory_space<vmem_shared>>, %arg6: memref<!tpu.dma_semaphore, #tpu.memory_space<semaphore_mem>>, %arg7: memref<!tpu.dma_semaphore, #tpu.memory_space<semaphore_mem>>) attributes {dimension_semantics = [#tpu.dimension_semantics<core_parallel>, #tpu.dimension_semantics<subcore_parallel>], iteration_bounds = array<i64: 2, 16>, scalar_prefetch = 0 : i64, scratch_operands = 3 : i64, tpu.core_type = #tpu.core_type<sc_vector_subcore>, window_params = [{transform_indices = #map}, {transform_indices = #map1}, {transform_indices = #map1}]} {
    %mul3A = arith.constant 2 : i32
    %mul3A_0 = arith.muli %arg1, %mul3A : i32
    %add3A = arith.addi %mul3A_0, %arg0 : i32
    %mul3A_1 = arith.constant 9856 : i32
    %mul3A_2 = arith.muli %add3A, %mul3A_1 : i32
    %mul3A_3 = arith.constant 2 : i32
    %mul3A_4 = arith.muli %mul3A_3, %arg1 : i32
    %add3A_5 = arith.constant 0 : i32
    %add3A_6 = arith.addi %mul3A_4, %add3A_5 : i32
    %mul3A_7 = arith.constant 64 : i32
    %mul3A_8 = arith.muli %add3A_6, %mul3A_7 : i32
    %add3A_9 = arith.constant 0 : i32
    %add3A_10 = arith.addi %mul3A_2, %add3A_9 : i32
    %dma_start3A = arith.constant 0 : i32
    %dma_start3A_11 = tpu.memref_slice %arg4[%add3A_10, %dma_start3A] : memref<315392x768xf32, #tpu.memory_space<hbm>> -> memref<64x768xf32, #tpu.memory_space<hbm>>
    %dma_start3A_12 = arith.constant 0 : i32
    %dma_start3A_13 = tpu.memref_slice %arg5[%mul3A_8, %dma_start3A_12] : memref<2048x768xf32, #tpu.memory_space<vmem_shared>> -> memref<64x768xf32, #tpu.memory_space<vmem_shared>>
    tpu.enqueue_dma source(%dma_start3A_13 : memref<64x768xf32, #tpu.memory_space<vmem_shared>>) target(%dma_start3A_11 : memref<64x768xf32, #tpu.memory_space<hbm>>) target_semaphore(%arg6 : memref<!tpu.dma_semaphore, #tpu.memory_space<semaphore_mem>>)
    %mul3A_14 = arith.constant 2 : i32
    %mul3A_15 = arith.muli %mul3A_14, %arg1 : i32
    %add3A_16 = arith.constant 1 : i32
    %add3A_17 = arith.addi %mul3A_15, %add3A_16 : i32
    %mul3A_18 = arith.constant 64 : i32
    %mul3A_19 = arith.muli %add3A_17, %mul3A_18 : i32
    %add3A_20 = arith.constant 64 : i32
    %add3A_21 = arith.addi %mul3A_2, %add3A_20 : i32
    %dma_start3A_22 = arith.constant 0 : i32
    %dma_start3A_23 = tpu.memref_slice %arg4[%add3A_21, %dma_start3A_22] : memref<315392x768xf32, #tpu.memory_space<hbm>> -> memref<64x768xf32, #tpu.memory_space<hbm>>
    %dma_start3A_24 = arith.constant 0 : i32
    %dma_start3A_25 = tpu.memref_slice %arg5[%mul3A_19, %dma_start3A_24] : memref<2048x768xf32, #tpu.memory_space<vmem_shared>> -> memref<64x768xf32, #tpu.memory_space<vmem_shared>>
    tpu.enqueue_dma source(%dma_start3A_25 : memref<64x768xf32, #tpu.memory_space<vmem_shared>>) target(%dma_start3A_23 : memref<64x768xf32, #tpu.memory_space<hbm>>) target_semaphore(%arg7 : memref<!tpu.dma_semaphore, #tpu.memory_space<semaphore_mem>>)
    %scan3A = arith.constant 0 : i32
    %scan3A_26 = arith.constant 1 : i32
    %scan3A_27 = arith.constant 76 : i32
    %scan3A_28 = arith.addi %scan3A_26, %scan3A_27 : i32
    %scan3A_29 = arith.constant 1 : i32
    scf.for %scan3A_54 = %scan3A_26 to %scan3A_28 step %scan3A_29  : i32 {
      %mul3A_55 = arith.constant 2 : i32
      %mul3A_56 = arith.muli %mul3A_55, %scan3A_54 : i32
      %add3A_57 = arith.constant 0 : i32
      %add3A_58 = arith.addi %mul3A_56, %add3A_57 : i32
      %mul3A_59 = arith.constant 2 : i32
      %mul3A_60 = arith.muli %mul3A_59, %arg1 : i32
      %add3A_61 = arith.constant 0 : i32
      %add3A_62 = arith.addi %mul3A_60, %add3A_61 : i32
      %mul3A_63 = arith.constant 64 : i32
      %mul3A_64 = arith.muli %add3A_62, %mul3A_63 : i32
      %mul3A_65 = arith.constant 64 : i32
      %mul3A_66 = arith.muli %add3A_58, %mul3A_65 : i32
      %add3A_67 = arith.addi %mul3A_2, %mul3A_66 : i32
      %dma_wait3A_68 = arith.constant 0 : i32
      %dma_wait3A_69 = tpu.memref_slice %arg4[%add3A_67, %dma_wait3A_68] : memref<315392x768xf32, #tpu.memory_space<hbm>> -> memref<64x768xf32, #tpu.memory_space<hbm>>
      %dma_wait3A_70 = arith.constant 0 : i32
      %dma_wait3A_71 = tpu.memref_slice %arg5[%mul3A_64, %dma_wait3A_70] : memref<2048x768xf32, #tpu.memory_space<vmem_shared>> -> memref<64x768xf32, #tpu.memory_space<vmem_shared>>
      tpu.wait_dma2 semaphore(%arg6 : memref<!tpu.dma_semaphore, #tpu.memory_space<semaphore_mem>>) src(%dma_wait3A_71 : memref<64x768xf32, #tpu.memory_space<vmem_shared>>) dst(%dma_wait3A_69 : memref<64x768xf32, #tpu.memory_space<hbm>>)
      %mul3A_72 = arith.constant 2 : i32
      %mul3A_73 = arith.muli %mul3A_72, %arg1 : i32
      %add3A_74 = arith.constant 0 : i32
      %add3A_75 = arith.addi %mul3A_73, %add3A_74 : i32
      %mul3A_76 = arith.constant 64 : i32
      %mul3A_77 = arith.muli %add3A_75, %mul3A_76 : i32
      %mul3A_78 = arith.constant 64 : i32
      %mul3A_79 = arith.muli %add3A_58, %mul3A_78 : i32
      %add3A_80 = arith.addi %mul3A_2, %mul3A_79 : i32
      %dma_start3A_81 = arith.constant 0 : i32
      %dma_start3A_82 = tpu.memref_slice %arg4[%add3A_80, %dma_start3A_81] : memref<315392x768xf32, #tpu.memory_space<hbm>> -> memref<64x768xf32, #tpu.memory_space<hbm>>
      %dma_start3A_83 = arith.constant 0 : i32
      %dma_start3A_84 = tpu.memref_slice %arg5[%mul3A_77, %dma_start3A_83] : memref<2048x768xf32, #tpu.memory_space<vmem_shared>> -> memref<64x768xf32, #tpu.memory_space<vmem_shared>>
      tpu.enqueue_dma source(%dma_start3A_84 : memref<64x768xf32, #tpu.memory_space<vmem_shared>>) target(%dma_start3A_82 : memref<64x768xf32, #tpu.memory_space<hbm>>) target_semaphore(%arg6 : memref<!tpu.dma_semaphore, #tpu.memory_space<semaphore_mem>>)
      %mul3A_85 = arith.constant 2 : i32
      %mul3A_86 = arith.muli %mul3A_85, %scan3A_54 : i32
      %add3A_87 = arith.constant 1 : i32
      %add3A_88 = arith.addi %mul3A_86, %add3A_87 : i32
      %mul3A_89 = arith.constant 2 : i32
      %mul3A_90 = arith.muli %mul3A_89, %arg1 : i32
      %add3A_91 = arith.constant 1 : i32
      %add3A_92 = arith.addi %mul3A_90, %add3A_91 : i32
      %mul3A_93 = arith.constant 64 : i32
      %mul3A_94 = arith.muli %add3A_92, %mul3A_93 : i32
      %mul3A_95 = arith.constant 64 : i32
      %mul3A_96 = arith.muli %add3A_88, %mul3A_95 : i32
      %add3A_97 = arith.addi %mul3A_2, %mul3A_96 : i32
      %dma_wait3A_98 = arith.constant 0 : i32
      %dma_wait3A_99 = tpu.memref_slice %arg4[%add3A_97, %dma_wait3A_98] : memref<315392x768xf32, #tpu.memory_space<hbm>> -> memref<64x768xf32, #tpu.memory_space<hbm>>
      %dma_wait3A_100 = arith.constant 0 : i32
      %dma_wait3A_101 = tpu.memref_slice %arg5[%mul3A_94, %dma_wait3A_100] : memref<2048x768xf32, #tpu.memory_space<vmem_shared>> -> memref<64x768xf32, #tpu.memory_space<vmem_shared>>
      tpu.wait_dma2 semaphore(%arg7 : memref<!tpu.dma_semaphore, #tpu.memory_space<semaphore_mem>>) src(%dma_wait3A_101 : memref<64x768xf32, #tpu.memory_space<vmem_shared>>) dst(%dma_wait3A_99 : memref<64x768xf32, #tpu.memory_space<hbm>>)
      %mul3A_102 = arith.constant 2 : i32
      %mul3A_103 = arith.muli %mul3A_102, %arg1 : i32
      %add3A_104 = arith.constant 1 : i32
      %add3A_105 = arith.addi %mul3A_103, %add3A_104 : i32
      %mul3A_106 = arith.constant 64 : i32
      %mul3A_107 = arith.muli %add3A_105, %mul3A_106 : i32
      %mul3A_108 = arith.constant 64 : i32
      %mul3A_109 = arith.muli %add3A_88, %mul3A_108 : i32
      %add3A_110 = arith.addi %mul3A_2, %mul3A_109 : i32
      %dma_start3A_111 = arith.constant 0 : i32
      %dma_start3A_112 = tpu.memref_slice %arg4[%add3A_110, %dma_start3A_111] : memref<315392x768xf32, #tpu.memory_space<hbm>> -> memref<64x768xf32, #tpu.memory_space<hbm>>
      %dma_start3A_113 = arith.constant 0 : i32
      %dma_start3A_114 = tpu.memref_slice %arg5[%mul3A_107, %dma_start3A_113] : memref<2048x768xf32, #tpu.memory_space<vmem_shared>> -> memref<64x768xf32, #tpu.memory_space<vmem_shared>>
      tpu.enqueue_dma source(%dma_start3A_114 : memref<64x768xf32, #tpu.memory_space<vmem_shared>>) target(%dma_start3A_112 : memref<64x768xf32, #tpu.memory_space<hbm>>) target_semaphore(%arg7 : memref<!tpu.dma_semaphore, #tpu.memory_space<semaphore_mem>>)
    }
    %scan3A_30 = arith.constant 76 : i32
    %mul3A_31 = arith.constant 2 : i32
    %mul3A_32 = arith.muli %mul3A_31, %arg1 : i32
    %add3A_33 = arith.constant 0 : i32
    %add3A_34 = arith.addi %mul3A_32, %add3A_33 : i32
    %mul3A_35 = arith.constant 64 : i32
    %mul3A_36 = arith.muli %add3A_34, %mul3A_35 : i32
    %add3A_37 = arith.constant 0 : i32
    %add3A_38 = arith.addi %mul3A_2, %add3A_37 : i32
    %dma_wait3A = arith.constant 0 : i32
    %dma_wait3A_39 = tpu.memref_slice %arg4[%add3A_38, %dma_wait3A] : memref<315392x768xf32, #tpu.memory_space<hbm>> -> memref<64x768xf32, #tpu.memory_space<hbm>>
    %dma_wait3A_40 = arith.constant 0 : i32
    %dma_wait3A_41 = tpu.memref_slice %arg5[%mul3A_36, %dma_wait3A_40] : memref<2048x768xf32, #tpu.memory_space<vmem_shared>> -> memref<64x768xf32, #tpu.memory_space<vmem_shared>>
    tpu.wait_dma2 semaphore(%arg6 : memref<!tpu.dma_semaphore, #tpu.memory_space<semaphore_mem>>) src(%dma_wait3A_41 : memref<64x768xf32, #tpu.memory_space<vmem_shared>>) dst(%dma_wait3A_39 : memref<64x768xf32, #tpu.memory_space<hbm>>)
    %mul3A_42 = arith.constant 2 : i32
    %mul3A_43 = arith.muli %mul3A_42, %arg1 : i32
    %add3A_44 = arith.constant 1 : i32
    %add3A_45 = arith.addi %mul3A_43, %add3A_44 : i32
    %mul3A_46 = arith.constant 64 : i32
    %mul3A_47 = arith.muli %add3A_45, %mul3A_46 : i32
    %add3A_48 = arith.constant 0 : i32
    %add3A_49 = arith.addi %mul3A_2, %add3A_48 : i32
    %dma_wait3A_50 = arith.constant 0 : i32
    %dma_wait3A_51 = tpu.memref_slice %arg4[%add3A_49, %dma_wait3A_50] : memref<315392x768xf32, #tpu.memory_space<hbm>> -> memref<64x768xf32, #tpu.memory_space<hbm>>
    %dma_wait3A_52 = arith.constant 0 : i32
    %dma_wait3A_53 = tpu.memref_slice %arg5[%mul3A_47, %dma_wait3A_52] : memref<2048x768xf32, #tpu.memory_space<vmem_shared>> -> memref<64x768xf32, #tpu.memory_space<vmem_shared>>
    tpu.wait_dma2 semaphore(%arg7 : memref<!tpu.dma_semaphore, #tpu.memory_space<semaphore_mem>>) src(%dma_wait3A_53 : memref<64x768xf32, #tpu.memory_space<vmem_shared>>) dst(%dma_wait3A_51 : memref<64x768xf32, #tpu.memory_space<hbm>>)
    return
  }
}

</mosaic_0001>

<sc_bundles>
// kernel: kernel.3.cloned.1.call-start
scs
__scs_entry_jumppad:
0x0: {  	(pc) =	sbr.rel $0x88, $3  }
0x1: {  	(tag) =	ssettag $0x0;
	lr =	simm.s32 $0x1  }
0x2: {  	[smem:$0x3F9F] =	sst lr;
	_ =	strace $0xD0000000  }
0x3: {  	_ = 	snop  }
0x4: {  	_ = 	snop  }
0x5: {  	_ = 	snop  }
0x6: {  	_ = 	snop  }
0x7: {  	_ = 	snop  }
__scs_overlays_trampoline_lowered:
0x8: {  	[smem:$0x3FAE] =	sst s0  }
0x9: {  	[smem:$0x3FAF] =	sst s1  }
0xa: {  	[smem:$0x3FB0] =	sst s2  }
0xb: {  	[smem:$0x3FB1] =	sst s3  }
0xc: {  	[smem:$0x3FB2] =	sst s4  }
0xd: {  	[smem:$0x3FB3] =	sst s5  }
0xe: {  	[smem:$0x3FB4] =	sst s6  }
0xf: {  	[smem:$0x3FB5] =	sst s7  }
0x10: {  	[smem:$0x3FB6] =	sst s8  }
0x11: {  	[smem:$0x3FB7] =	sst s9;
	s0 =	simm.s32 @!p0 $0x0  }
0x12: {  	s1 =	sld [smem:$0x3F9D];
	s0 =	simm.s32 @p0 $0x1  }
0x13: {  	[smem:$0x3FB8] =	sst s0;
	s0 =	simm.s32 @!p1 $0x0  }
0x14: {  	s2 =	sld [smem:$0x3F9C];
	s0 =	simm.s32 @p1 $0x1  }
0x15: {  	[smem:$0x3FB9] =	sst s0;
	s0 =	simm.s32 @!p2 $0x0  }
0x16: {  	s3 =	sld [smem:$0x3FDB];
	s0 =	simm.s32 @p2 $0x1  }
0x17: {  	s4 =	simm.s32 $0x1BF5;
	[smem:$0x3FBB] =	sst s0  }
0x18: {  	s0 =	sld [smem:$0x3F9E];
	_ =	swait.ge [sflag:s4], $0x0  }
0x19: {  	s7 =	sld [smem:$0x3F9F]  }
0x1a: {  	s8 =	sadd.s32 $0xFFFFE003, lr  }
0x1b: {  	s9 =	sadd.s32 $0xFFFFFEF7, lr;
	s5 =	simm.s32 $0xFFFFFFFF;
	p2 =	slt.u32 s8, $0xFFFFF086  }
0x1c: {  	p1 =	slt.u32 s9, $0xF7A;
	s5 =	simm.s32 @!p2 $0x0  }
0x1d: {  	s5 =	simm.s32 @p1 $0x1;
	p0 =	seq.s32 s7, s2  }
0x1e: {  	s7 =	smul.u32 @!p0 $0xF7A, s2;
	p2 =	seq.s32 @!p0 s5, $0x0  }
0x1f: {  	s9 =	smul.u32 $0xF7A, s1;
	s8 =	simm.s32 @!p0 $0x1BF5;
	p2 =	por !p2, p0  }
0x20: {  	[sflag:s8] =	ssyncset.s32 @!p0 $0xFFFFF086;
	s6 =	sadd.s32 @!p0 s3, s7;
	s7 =	simm.s32 @!p0 $0x108  }
0x21: {  	s3 =	sadd.s32 s3, s9;
	s6 =	sadd.s32 @!p0 $0x88, s6;
	s7 =	simm.s32 @p2 $0x1082  }
0x22: {  	[simem:s7], [sflag:s8] =	dma.local @!p0 [hbm:s6], $0xF7A  }
0x23: {  	s9 =	sor.u32 $0xD0000000, s2;
	s6 =	simm.s32 $0x108;
	_ =	swait.ge @!p0 [sflag:s8], $0x0  }
0x24: {  	s3 =	sadd.s32 $0x88, s3;
	s6 =	simm.s32 @!p1 $0x1082;
	[sflag:s4] =	ssyncset.s32 $0xFFFFF086  }
0x25: {  	[simem:s6], [sflag:s4] =	dma.local [hbm:s3], $0xF7A  }
0x26: {  	[smem:$0x3F9F] =	sst s1;
	(tag) =	ssettag s2;
	_ =	strace s9  }
0x27: {  	s1 =	sld [smem:$0x3FAF]  }
0x28: {  	s2 =	sld [smem:$0x3FB0]  }
0x29: {  	s4 =	sld [smem:$0x3FB2]  }
0x2a: {  	p0 =	seq.s32 s5, $0x0;
	s5 =	sld [smem:$0x3FB3]  }
0x2b: {  	s6 =	sld [smem:$0x3FB4]  }
0x2c: {  	s7 =	sld [smem:$0x3FB5]  }
0x2d: {  	s3 =	simm.s32 $0x108;
	s8 =	sld [smem:$0x3FB6]  }
0x2e: {  	s3 =	simm.s32 @!p0 $0x1082;
	s9 =	sld [smem:$0x3FB7]  }
0x2f: {  	lr =	sadd.s32 s0, s3;
	s0 =	sld [smem:$0x3FAE]  }
0x30: {  	s3 =	sld [smem:$0x3FB1]  }
0x31: {  	[smem:$0x3FBA] =	sst s10  }
0x32: {  	s10 =	sld [smem:$0x3FB8];
	_ =	sdelay $0x3  }
0x33: {  	p0 =	seq.s32 s10, $0x1;
	s10 =	sld [smem:$0x3FBA];
	_ =	sdelay $0x3  }
0x34: {  	[smem:$0x3FBA] =	sst s10  }
0x35: {  	s10 =	sld [smem:$0x3FB9];
	_ =	sdelay $0x3  }
0x36: {  	p1 =	seq.s32 s10, $0x1;
	s10 =	sld [smem:$0x3FBA];
	_ =	sdelay $0x3  }
0x37: {  	[smem:$0x3FBA] =	sst s10  }
0x38: {  	s10 =	sld [smem:$0x3FBB]  }
0x39: {  	_ = 	snop;
	(pc) =	sbr.ind lr, $3  }
0x3a: {  	_ = 	snop  }
0x3b: {  	_ = 	snop  }
0x3c: {  	p2 =	seq.s32 s10, $0x1;
	s10 =	sld [smem:$0x3FBA]  }
0x3d: {  	_ =	shalt  }
0x3e: {  	_ =	shalt  }
0x3f: {  	_ =	shalt  }
0x40: {  	_ =	shalt  }
0x41: {  	_ =	shalt  }
0x42: {  	_ =	shalt  }
0x43: {  	_ =	shalt  }
0x44: {  	_ =	shalt  }
0x45: {  	_ =	shalt  }
0x46: {  	_ =	shalt  }
0x47: {  	_ =	shalt  }
0x48: {  	_ =	shalt  }
0x49: {  	_ =	shalt  }
0x4a: {  	_ =	shalt  }
0x4b: {  	_ =	shalt  }
0x4c: {  	_ =	shalt  }
0x4d: {  	_ =	shalt  }
0x4e: {  	_ =	shalt  }
0x4f: {  	_ =	shalt  }
0x50: {  	_ =	shalt  }
0x51: {  	_ =	shalt  }
0x52: {  	_ =	shalt  }
0x53: {  	_ =	shalt  }
0x54: {  	_ =	shalt  }
0x55: {  	_ =	shalt  }
0x56: {  	_ =	shalt  }
0x57: {  	_ =	shalt  }
0x58: {  	_ =	shalt  }
0x59: {  	_ =	shalt  }
0x5a: {  	_ =	shalt  }
0x5b: {  	_ =	shalt  }
0x5c: {  	_ =	shalt  }
0x5d: {  	_ =	shalt  }
0x5e: {  	_ =	shalt  }
0x5f: {  	_ =	shalt  }
0x60: {  	_ =	shalt  }
0x61: {  	_ =	shalt  }
0x62: {  	_ =	shalt  }
0x63: {  	_ =	shalt  }
0x64: {  	_ =	shalt  }
0x65: {  	_ =	shalt  }
0x66: {  	_ =	shalt  }
0x67: {  	_ =	shalt  }
0x68: {  	_ =	shalt  }
0x69: {  	_ =	shalt  }
0x6a: {  	_ =	shalt  }
0x6b: {  	_ =	shalt  }
0x6c: {  	_ =	shalt  }
0x6d: {  	_ =	shalt  }
0x6e: {  	_ =	shalt  }
0x6f: {  	_ =	shalt  }
0x70: {  	_ =	shalt  }
0x71: {  	_ =	shalt  }
0x72: {  	_ =	shalt  }
0x73: {  	_ =	shalt  }
0x74: {  	_ =	shalt  }
0x75: {  	_ =	shalt  }
0x76: {  	_ =	shalt  }
0x77: {  	_ =	shalt  }
0x78: {  	_ =	shalt  }
0x79: {  	_ =	shalt  }
0x7a: {  	_ =	shalt  }
0x7b: {  	_ =	shalt  }
0x7c: {  	_ =	shalt  }
0x7d: {  	_ =	shalt  }
0x7e: {  	_ =	shalt  }
0x7f: {  	_ =	shalt  }
0x80: {  	_ =	shalt  }
0x81: {  	_ =	shalt  }
0x82: {  	_ =	shalt  }
0x83: {  	_ =	shalt  }
0x84: {  	_ =	shalt  }
0x85: {  	_ =	shalt  }
0x86: {  	_ =	shalt  }
0x87: {  	_ =	shalt  }
.Lfunc_end0:
.L_simem_size_0:
called_computation.1_lowered:
.L_overlay_start_0:
0x88: {  	s2 =	sld [smem:$0x3FD9]  }
0x89: {  	s3 =	sld [smem:$0x3FFE];
	_ =	sdelay $0x1  }
0x8a: {  	s1 =	srdreg.scid  }
0x8b: {  	s0 =	sand.u32 $0x1, s1  }
0x8c: {  	s18 =	sshll.u32 s0, $0xA;
	s2 =	sadd.s32 s3, s2  }
0x8d: {  	s2 =	sadd.s32 s2, s18  }
0x8e: {  	[smem:$0x3FC6] =	sst s2  }
0x8f: {  	_ = 	snop  }
0x90: {  	s2 =	sld [smem:$0x3FD0];
	(tm) =	ssettm $0x1  }
0x91: {  	s19 =	sld [smem:$0x3FFB];
	_ =	sdelay $0x3  }
0x92: {  	_ =	strace s19  }
0x93: {  	s3 =	sld [smem:$0x3FFC];
	_ =	sdelay $0x3  }
0x94: {  	_ =	strace s3  }
0x95: {  	s3 =	sld [smem:$0x3FFD];
	_ =	sdelay $0x3  }
0x96: {  	_ =	strace s3  }
0x97: {  	_ =	strace $0x8FFFFFFF  }
0x98: {  	s20 =	sld [smem:$0x3FDB];
	_ =	sdelay $0x1  }
0x99: {  	s4 =	simm.s32 $_scs_section_size  }
0x9a: {  	s5 =	simm.s32 $_size__tile_overlayer_lowered;
	s6 =	simm.s32 $_tile_overlayer_lowered  }
0x9b: {  	s23 =	simm.s32 $0x1BFF;
	s22 =	sshll.u32 s6, $0x1;
	s3 =	sadd.s32 s4, s20  }
0x9c: {  	s7 =	simm.s32 $0x0;
	s21 =	sshll.u32 s5, $0x1;
	s5 =	sadd.s32 s22, s3  }
0x9d: {  	[timem:s7], [sflag:s23] =	dma.local [hbm:s5], s21  }
0x9e: {  	_ =	swait.ge [sflag:s23], s21  }
0x9f: {  	s4 =	ssub.s32 $0x0, s21;
	[sflag:s23] =	ssyncset.done $0x0  }
0xa0: {  	[sflag:s23] =	ssyncadd.s32 s4;
	_ =	sdelay $0x1  }
0xa1: {  	s24 =	simm.s32 $0x1B8B  }
0xa2: {  	_ =	swait.ge [sflag:s24], $0x1  }
0xa3: {  	[sflag:s24] =	ssyncset.done $0x0  }
0xa4: {  	s25 =	simm.s32 $0x1B8E;
	[sflag:s24] =	ssyncadd.s32 $0xFFFFFFFF  }
0xa5: {  	s26 =	simm.s32 $execute0_lowered;
	[smem:$0x3FD2] =	sst s25  }
0xa6: {  	s4 =	sshll.u32 s26, $0x1;
	_ =	strace $0x80000046;
	[dreg:$0x1] =	wrdreg $0xFFFFFFFF  }
0xa7: {  	s28 =	simm.s32 $_size_execute0_lowered;
	s3 =	sadd.s32 s3, s4;
	[dreg:$0x0] =	wrdreg $0x0  }
0xa8: {  	s4 =	sshll.u32 s28, $0x1;
	[dreg:$0x2] =	wrdreg s3  }
0xa9: {  	[dreg:$0x3] =	wrdreg s4  }
0xaa: {  	[dreg:$0x4] =	wrdreg $0xC0  }
0xab: {  	_ =	task [dreg:s7], $0x5FFFF  }
0xac: {  	[dreg:$0x1] =	wrdreg $0xFFFFFFFF  }
0xad: {  	[dreg:$0x0] =	wrdreg $0x60  }
0xae: {  	[dreg:$0x2] =	wrdreg s2  }
0xaf: {  	[dreg:$0x3] =	wrdreg $0x0  }
0xb0: {  	[dreg:$0x4] =	wrdreg $0x9  }
0xb1: {  	_ =	task.clear_ibuf [dreg:s7], $0x5FFFF;
	_ =	strace $0x90000046  }
0xb2: {  	s29 =	simm.s32 $0x9;
	_ =	strace $0x80000048  }
0xb3: {  	_ =	swait.ge [sflag:s29], $0x1  }
0xb4: {  	[sflag:s29] =	ssyncadd.s32 $0xFFFFFFFF  }
0xb5: {  	_ =	strace $0x90000048  }
0xb6: {  	_ =	sfence  }
0xb7: {  	s30 =	sld [smem:$0x0];
	_ =	sdelay $0x2  }
0xb8: {  	s31 =	sshll.u32 s1, $0xD;
	s1 =	sshrl.u32 s1, $0x2  }
0xb9: {  	s3 =	sand.u32 $0x4000, s31;
	s1 =	sadd.s32 s1, s30  }
0xba: {  	s0 =	sor.u32 s3, s0;
	s1 =	sshll.u32 s1, $0x11  }
0xbb: {  	s0 =	sor.u32 s1, s0  }
0xbc: {  	s0 =	sadd.s32 $0x8F2B, s0  }
0xbd: {  	[sflag:s0] =	ssyncadd.remote.s32 $0x1  }
0xbe: {  	_ =	sfence.sel $0xFFFF  }
0xbf: {  	[dreg:$0x0] =	wrdreg $0xFFFFFFFF;
	(pc) =	sbr.abs _section_cstart, $3  }
0xc0: {  	[dreg:$0x1] =	wrdreg $0xFFFFFFFF  }
0xc1: {  	_ =	task.clear_ibuf [dreg:s7], $0x2FFFF;
	_ =	strace $0x9FFFFFFF  }
0xc2: {  	(tm) =	ssettm $0x7FFFFFFF  }
0xc3: {  	_ =	shalt  }
tec
execute0_lowered:
.L_overlay_start_1:
0x0: {  	(tag) =	ssettag $0x1  }
0x1: {  	s1 =	srdreg.scid;
	s2 =	rddreg [dreg:$0x0]  }
0x2: {  	s0 =	stileid.u32;
	s5 =	rddreg [dreg:$0x1];
	s3 =	simm.s32 $0x0  }
0x3: {  	s14 =	simm.s32 $0x2;
	s4 =	sand.u32 $0x1, s1;
	s7 =	smul.u32 $0x60000, s0  }
0x4: {  	s26 =	sshll.u32 s0, $0x1;
	[smem:$0x7FF] =	sst s3;
	s9 =	smul.u32 $0x4D00, s0  }
0x5: {  	s1 =	sor.u32 s4, s26;
	s8 =	ssub.s32 $0x2, s4;
	s4 =	smul.u32 $0x2680, s4  }
0x6: {  	s12 =	sshll.u32 s0, $0x6;
	s6 =	smul.u32 $0x2680, s1;
	s1 =	rddreg [dreg:$0x2]  }
0x7: {  	s10 =	sshrl.u32 s8, $0x1;
	_ =	strace $0x80000047;
	s7 =	sshrl.u32 s7, $0x2  }
0x8: {  	s8 =	ssub.s32 s8, s10;
	s4 =	sadd.s32 s4, s9;
	s6 =	sshrl.u32 s6, $0x3  }
0x9: {  	s11 =	sadd.s32 s7, s5;
	s29 =	sadd.s32 $0xC0, s4;
	s28 =	smul.u32 $0x300, s6  }
0xa: {  	s13 =	sadd.s32 $0xC000, s11;
	s8 =	smax.u32 s8, $0x1;
	s6 =	smul.u32 $0x1800, s6  }
0xb: {  	s10 =	sshrl.u32 s11, $0x3;
	s11 =	sor.u32 $0x1C02, s12;
	s7 =	sshrl.u32 s29, $0x3  }
0xc: {  	s31 =	smul.u32 $0x300, s7;
	s5 =	sadd.s32 s2, s28;
	s30 =	sshrl.u32 s6, $0x3  }
0xd: {  	s6 =	sor.u32 $0x1C01, s12;
	s12 =	sshrl.u32 s13, $0x3;
	s9 =	sadd.s32 s2, s30  }
0xe: {  	s13 =	simm.s32 $0x1;
	s7 =	sadd.s32 $0x1800, s9;
	s9 =	sadd.s32 s31, s2  }
.LBB2_1:
0xf: {  	[hbm:s5], [sflag:s6] =	dma.local [spmem:s10], $0x1800  }
0x10: {  	s15 =	sadd.s32 $0x80, s4  }
0x11: {  	[hbm:s7], [sflag:s11] =	dma.local [spmem:s12], $0x1800  }
0x12: {  	s15 =	sshrl.u32 s15, $0x3  }
0x13: {  	s15 =	smul.u32 $0x300, s15;
	_ =	swait.ge [sflag:s13], $0x1800  }
0x14: {  	s17 =	simm.s32 $0x180;
	[sflag:s13] =	ssyncset.done $0x0  }
0x15: {  	s18 =	sadd.s32 $0x100, s4;
	s15 =	sadd.s32 s2, s15;
	[sflag:s13] =	ssyncadd.s32 $0xFFFFE800  }
0x16: {  	[hbm:s15], [sflag:s6] =	dma.local [spmem:s10], $0x1800  }
0x17: {  	s16 =	smov.u32 s9;
	s15 =	sadd.s32 $0x3000, s9;
	_ =	swait.ge [sflag:s14], $0x1800  }
.LBB2_2:
0x18: {  	s18 =	sshrl.u32 s18, $0x3  }
0x19: {  	[sflag:s14] =	ssyncset.done $0x0;
	s19 =	smov.u32 s17;
	s20 =	sadd.s32 $0x80, s17  }
0x1a: {  	p0 =	sne.s32 s17, $0x2600;
	s17 =	smul.u32 $0x300, s18;
	[sflag:s14] =	ssyncadd.s32 $0xFFFFE800  }
0x1b: {  	[hbm:s16], [sflag:s11] =	dma.local [spmem:s12], $0x1800  }
.Ltmp0:
0x1c: {  	_ =	swait.ge [sflag:s13], $0x1800;
	s17 =	sadd.s32 s2, s17;
	(pc) =	sbr.rel @p0 .LBB2_2-.Ltmp0, $4  }
0x1d: {  	s16 =	smov.u32 s15;
	[sflag:s13] =	ssyncset.done $0x0  }
0x1e: {  	s18 =	sadd.s32 s19, s4;
	[sflag:s13] =	ssyncadd.s32 $0xFFFFE800  }
0x1f: {  	[hbm:s17], [sflag:s6] =	dma.local [spmem:s10], $0x1800  }
0x20: {  	s15 =	sadd.s32 $0x3000, s15;
	s17 =	smov.u32 s20;
	_ =	swait.ge [sflag:s14], $0x1800  }
0x21: {  	[sflag:s14] =	ssyncset.done $0x0  }
0x22: {  	s17 =	sshrl.u32 s18, $0x3;
	[sflag:s14] =	ssyncadd.s32 $0xFFFFE800  }
0x23: {  	[hbm:s16], [sflag:s11] =	dma.local [spmem:s12], $0x1800  }
0x24: {  	s31 =	smul.u32 $0x300, s17;
	_ =	swait.ge [sflag:s13], $0x1800  }
0x25: {  	[sflag:s13] =	ssyncset.done $0x0  }
0x26: {  	s16 =	sadd.s32 s2, s31;
	[sflag:s13] =	ssyncadd.s32 $0xFFFFE800  }
0x27: {  	[hbm:s16], [sflag:s6] =	dma.local [spmem:s10], $0x1800  }
0x28: {  	_ =	swait.ge [sflag:s14], $0x1800  }
0x29: {  	[sflag:s14] =	ssyncset.done $0x0  }
0x2a: {  	s3 =	sadd.s32 $0x1, s3;
	[sflag:s14] =	ssyncadd.s32 $0xFFFFE800  }
0x2b: {  	[hbm:s15], [sflag:s11] =	dma.local [spmem:s12], $0x1800  }
0x2c: {  	p0 =	sne.s32 s3, s8;
	_ =	swait.ge [sflag:s13], $0x1800  }
.Ltmp1:
0x2d: {  	[sflag:s13] =	ssyncset.done $0x0;
	(pc) =	sbr.rel @p0 .LBB2_1-.Ltmp1, $4  }
0x2e: {  	[sflag:s13] =	ssyncadd.s32 $0xFFFFE800  }
0x2f: {  	_ =	swait.ge [sflag:s14], $0x1800  }
0x30: {  	[sflag:s14] =	ssyncset.done $0x0  }
0x31: {  	[sflag:s14] =	ssyncadd.s32 $0xFFFFE800  }
0x32: {  	_ =	sfence.sel $0x180000  }
0x33: {  	[bflag:$0x0] =	sbarrier.arrive $0xFFFF  }
0x34: {  	p0 =	sne.s32 s0, $0x0;
	_ =	strace $0x90000047  }
0x35: {  	s0 =	sadd.s32 @!p0 $0x100000, s1;
	[bflag:$0x2] =	sbarrier.arrive $0xFFFF  }
0x36: {  	[sflag:s0] =	ssyncadd.tile.s32 @!p0 $0x1;
	_ =	shalt  }
.Lfunc_end2:
_tile_overlayer_lowered:
.L_overlay_start_2:
0x37: {  	(tag) =	ssettag $0x2  }
0x38: {  	s0 =	rddreg [dreg:$0x0];
	s2 =	stileid.u32  }
0x39: {  	s1 =	rddreg [dreg:$0x1];
	p0 =	sne.s32 s2, $0x0  }
0x3a: {  	s3 =	rddreg [dreg:$0x2];
	[bflag:$0x3] =	sbarrier.arrive $0xFFFF;
	s2 =	simm.s32 @!p0 $0x1C03  }
0x3b: {  	[timem:s3], [sflag:s2] =	dma.local @!p0 [hbm:s0], s1  }
0x3c: {  	s0 =	simm.s32 @!p0 $0x3  }
0x3d: {  	_ =	swait.ge @!p0 [sflag:s0], s1  }
0x3e: {  	s1 =	ssub.s32 @!p0 $0x0, s1;
	[sflag:s0] =	ssyncset.done @!p0 $0x0  }
0x3f: {  	[sflag:s0] =	ssyncadd.s32 @!p0 s1  }
0x40: {  	[bflag:$0x3] =	sbarrier.arrive $0xFFFF  }
0x41: {  	_ =	shalt  }

// kernel: sparse-core-data-format-call.cloned.1.call-start
scs
called_computation_lowered:
.L_overlay_start_0:
0x0: {  	s2 =	sld [smem:$0x3FD9]  }
0x1: {  	s3 =	sld [smem:$0x3FFE];
	_ =	sdelay $0x1  }
0x2: {  	s1 =	srdreg.scid  }
0x3: {  	s0 =	sand.u32 $0x1, s1  }
0x4: {  	s18 =	sshll.u32 s0, $0xA;
	s2 =	sadd.s32 s3, s2  }
0x5: {  	s2 =	sadd.s32 s2, s18  }
0x6: {  	[smem:$0x3FC6] =	sst s2  }
0x7: {  	_ = 	snop  }
0x8: {  	s2 =	sld [smem:$0x3FD0];
	(tm) =	ssettm $0x1  }
0x9: {  	s19 =	sld [smem:$0x3FFB];
	_ =	sdelay $0x3  }
0xa: {  	_ =	strace s19  }
0xb: {  	s3 =	sld [smem:$0x3FFC];
	_ =	sdelay $0x3  }
0xc: {  	_ =	strace s3  }
0xd: {  	s3 =	sld [smem:$0x3FFD];
	_ =	sdelay $0x3  }
0xe: {  	_ =	strace s3  }
0xf: {  	_ =	strace $0x8FFFFFFF  }
0x10: {  	s20 =	sld [smem:$0x3FDB];
	_ =	sdelay $0x1  }
0x11: {  	s4 =	simm.s32 $_scs_section_size  }
0x12: {  	s5 =	simm.s32 $_size__tile_overlayer_lowered;
	s6 =	simm.s32 $_tile_overlayer_lowered  }
0x13: {  	s23 =	simm.s32 $0x1BFF;
	s22 =	sshll.u32 s6, $0x1;
	s3 =	sadd.s32 s4, s20  }
0x14: {  	s7 =	simm.s32 $0x0;
	s21 =	sshll.u32 s5, $0x1;
	s5 =	sadd.s32 s22, s3  }
0x15: {  	[timem:s7], [sflag:s23] =	dma.local [hbm:s5], s21  }
0x16: {  	_ =	swait.ge [sflag:s23], s21  }
0x17: {  	s4 =	ssub.s32 $0x0, s21;
	[sflag:s23] =	ssyncset.done $0x0  }
0x18: {  	[sflag:s23] =	ssyncadd.s32 s4;
	_ =	sdelay $0x1  }
0x19: {  	s24 =	simm.s32 $0x1B8B  }
0x1a: {  	_ =	swait.ge [sflag:s24], $0x1  }
0x1b: {  	[sflag:s24] =	ssyncset.done $0x0  }
0x1c: {  	s26 =	simm.s32 $0x1B8E;
	s25 =	sld [smem:$0x3FFE];
	[sflag:s24] =	ssyncadd.s32 $0xFFFFFFFF  }
0x1d: {  	s27 =	simm.s32 $execute0_lowered;
	[smem:$0x3FD2] =	sst s26  }
0x1e: {  	s5 =	sshll.u32 s27, $0x1;
	_ =	strace $0x80000049;
	[dreg:$0x1] =	wrdreg $0xFFFFFFFF  }
0x1f: {  	s28 =	simm.s32 $_size_execute0_lowered;
	s3 =	sadd.s32 s3, s5;
	[dreg:$0x0] =	wrdreg $0x0  }
0x20: {  	s5 =	sshll.u32 s28, $0x1;
	[dreg:$0x2] =	wrdreg s3  }
0x21: {  	[dreg:$0x3] =	wrdreg s5  }
0x22: {  	[dreg:$0x4] =	wrdreg $0xC0  }
0x23: {  	_ =	task [dreg:s7], $0x5FFFF  }
0x24: {  	[dreg:$0x1] =	wrdreg $0xFFFFFFFF  }
0x25: {  	[dreg:$0x0] =	wrdreg $0x60  }
0x26: {  	[dreg:$0x2] =	wrdreg s25  }
0x27: {  	[dreg:$0x3] =	wrdreg s2  }
0x28: {  	[dreg:$0x4] =	wrdreg $0x9  }
0x29: {  	_ =	task.clear_ibuf [dreg:s7], $0x5FFFF;
	_ =	strace $0x90000049  }
0x2a: {  	s29 =	simm.s32 $0x9;
	_ =	strace $0x8000004B  }
0x2b: {  	_ =	swait.ge [sflag:s29], $0x1  }
0x2c: {  	[sflag:s29] =	ssyncadd.s32 $0xFFFFFFFF  }
0x2d: {  	_ =	strace $0x9000004B  }
0x2e: {  	_ =	sfence  }
0x2f: {  	s30 =	sld [smem:$0x0];
	_ =	sdelay $0x2  }
0x30: {  	s31 =	sshll.u32 s1, $0xD;
	s1 =	sshrl.u32 s1, $0x2  }
0x31: {  	s3 =	sand.u32 $0x4000, s31;
	s1 =	sadd.s32 s1, s30  }
0x32: {  	s0 =	sor.u32 s3, s0;
	s1 =	sshll.u32 s1, $0x11  }
0x33: {  	s0 =	sor.u32 s1, s0  }
0x34: {  	s0 =	sadd.s32 $0x8F2B, s0  }
0x35: {  	[sflag:s0] =	ssyncadd.remote.s32 $0x1  }
0x36: {  	_ =	sfence.sel $0xFFFF  }
0x37: {  	[dreg:$0x0] =	wrdreg $0xFFFFFFFF;
	(pc) =	sbr.abs _section_cstart, $3  }
0x38: {  	[dreg:$0x1] =	wrdreg $0xFFFFFFFF  }
0x39: {  	_ =	task.clear_ibuf [dreg:s7], $0x2FFFF;
	_ =	strace $0x9FFFFFFF  }
0x3a: {  	(tm) =	ssettm $0x7FFFFFFF  }
0x3b: {  	_ =	shalt  }
tec
execute0_lowered:
.L_overlay_start_1:
0x0: {  	(tag) =	ssettag $0x1  }
0x1: {  	s0 =	srdreg.scid  }
0x2: {  	s1 =	sshll.u32 s0, $0x4  }
0x3: {  	s6 =	rddreg [dreg:$0x0];
	s0 =	stileid.u32;
	s1 =	sand.u32 $0x10, s1  }
0x4: {  	s3 =	rddreg [dreg:$0x1];
	s1 =	sor.u32 s0, s1  }
0x5: {  	s5 =	simm.s32 $0x1;
	s31 =	simm.s32 $0x2;
	s2 =	sshll.u32 s1, $0x7  }
0x6: {  	s15 =	simm.s32 $0x0;
	s8 =	simm.s32 $0x1800;
	s4 =	ssub.s32 $0x1000, s2  }
0x7: {  	s9 =	simm.s32 $0x0;
	s14 =	simm.s32 $0x0;
	s30 =	sand.u32 $0xF80, s4  }
0x8: {  	s16 =	simm.s32 $0x0;
	s10 =	simm.s32 $0x0;
	p0 =	sne.s32 s30, $0x0  }
.Ltmp0:
0x9: {  	s7 =	sshrl.u32 s4, $0xC;
	s5 =	simm.s32 @!p0 $0x0;
	(pc) =	sbr.rel .LBB1_1-.Ltmp0, $4  }
0xa: {  	s11 =	simm.s32 $0x0;
	s1 =	rddreg [dreg:$0x2];
	s5 =	sadd.s32 s5, s7  }
0xb: {  	_ =	strace $0x8000004A;
	s4 =	simm.s32 $0x1;
	s5 =	smul.u32 $0x1CE, s5  }
0xc: {  	s13 =	simm.s32 $0x0;
	s6 =	sadd.s32 $0x800, s6;
	[sflag:s4] =	ssyncpa.u1 $0x0  }
0xd: {  	s12 =	smov.u32 s2;
	[sflag:s31] =	ssyncpa.u1 $0x0;
	s7 =	sor.u32 $0x1, s5  }
.LBB1_4:
0xe: {  	_ =	sdelay $0x2  }
0xf: {  	s20 =	sshrl.u32 s16, $0x3  }
0x10: {  	[tilespmem:v0+s19+$0xFFFFFFD0 ss:$0x1] =	vst.idx.msk $0xffff, v7;
	s21 =	sshll.u32 s15, $0x3;
	s20 =	smul.u32 $0x1800, s20  }
0x11: {  	v56 =	vld.idx.msk [tilespmem:v1+s18+$0x0 ss:$0x1], $0xffff;
	[tilespmem:v0+s19+$0xFFFFFFE0 ss:$0x1] =	vst.idx.msk $0xffff, v5;
	s27 =	sshll.u32 s16, $0x7;
	s21 =	sand.u32 $0xFFFFFC00, s21  }
0x12: {  	v57 =	vld.idx.msk [tilespmem:v1+s18+$0xFFFFFF90 ss:$0x1], $0xffff;
	[tilespmem:v0+s19+$0xFFFFFFF0 ss:$0x1] =	vst.idx.msk $0xffff, v4;
	s16 =	sand.u32 $0x380, s27;
	s20 =	sadd.s32 s20, s21  }
0x13: {  	v58 =	vld.idx.msk [tilespmem:v1+s18+$0xFFFFFFA0 ss:$0x1], $0xffff;
	[tilespmem:v0+s19+$0x0 ss:$0x1] =	vst.idx.msk $0xffff, v2;
	s28 =	sand.u32 $0x7F, s15;
	s16 =	sor.u32 s16, s20  }
0x14: {  	v59 =	vld.idx.msk [tilespmem:v1+s18+$0xFFFFFFB0 ss:$0x1], $0xffff;
	[tilespmem:v0+s19+$0x10 ss:$0x1] =	vst.idx.msk $0xffff, v3;
	s15 =	sor.u32 s28, s16  }
0x15: {  	v60 =	vld.idx.msk [tilespmem:v1+s18+$0xFFFFFFC0 ss:$0x1], $0xffff;
	[tilespmem:v0+s19+$0x20 ss:$0x1] =	vst.idx.msk $0xffff, v6;
	s29 =	smulhi.u32 $0xAAAAAAAB, s15  }
0x16: {  	v61 =	vld.idx.msk [tilespmem:v1+s18+$0xFFFFFFD0 ss:$0x1], $0xffff;
	[tilespmem:v0+s18+$0x30 ss:$0x1] =	vst.idx.msk $0xffff, v56;
	s16 =	smulhi.u32 $0xAAAAAAAB, s16  }
0x17: {  	v62 =	vld.idx.msk [tilespmem:v1+s18+$0xFFFFFFE0 ss:$0x1], $0xffff;
	[tilespmem:v0+s18+$0xFFFFFFC0 ss:$0x1] =	vst.idx.msk $0xffff, v57;
	s19 =	sshrl.u32 s29, $0x9  }
0x18: {  	v63 =	vld.idx.msk [tilespmem:v1+s18+$0xFFFFFFF0 ss:$0x1], $0xffff;
	[tilespmem:v0+s18+$0xFFFFFFD0 ss:$0x1] =	vst.idx.msk $0xffff, v58;
	s16 =	sshrl.u32 s16, $0x9;
	s19 =	smul.u32 $0x300, s19  }
0x19: {  	s14 =	smul.u32 $0x60000, s14;
	[tilespmem:v0+s18+$0xFFFFFFE0 ss:$0x1] =	vst.idx.msk $0xffff, v59;
	s16 =	sand.u32 $0xFFF, s16  }
0x1a: {  	[tilespmem:v0+s18+$0xFFFFFFF0 ss:$0x1] =	vst.idx.msk $0xffff, v60;
	s16 =	smul.u32 $0x60, s16;
	s15 =	ssub.s32 s15, s19  }
0x1b: {  	s14 =	sadd.s32 s3, s14;
	[tilespmem:v0+s18+$0x0 ss:$0x1] =	vst.idx.msk $0xffff, v61;
	s19 =	sand.u32 $0x7, s15  }
0x1c: {  	[tilespmem:v0+s18+$0x10 ss:$0x1] =	vst.idx.msk $0xffff, v62;
	s14 =	sadd.s32 s16, s14;
	s15 =	sshrl.u32 s15, $0x3;
	s30 =	sshll.u32 s19, $0x12  }
0x1d: {  	[tilespmem:v0+s18+$0x20 ss:$0x1] =	vst.idx.msk $0xffff, v63;
	s14 =	sadd.s32 s15, s14;
	s31 =	sor.u32 $0x400, s30  }
0x1e: {  	[hbm4b:s14+s31] =	stream.strided.scatter [tilespmem:s17], [sflag:$0x2], $0x4000, s8, s31, $0x38;
	[tilespmem:$0x10000] =	vst v63  }
.LBB1_5:
0x1f: {  	s17 =	sadd.s32 $0x80, s10  }
0x20: {  	s14 =	simm.s32 $0x1;
	p1 =	sgt.s32 s17, $0x2FF  }
0x21: {  	s14 =	simm.s32 @!p1 $0x0  }
0x22: {  	s18 =	sadd.s32 s14, s11  }
0x23: {  	s20 =	smov.u32 s12;
	s14 =	sadd.s32 $0x1000, s12;
	p2 =	sgt.s32 s18, $0x4C  }
0x24: {  	s20 =	smov.u32 @p2 s14  }
0x25: {  	s17 =	simm.s32 @p1 $0x0;
	p1 =	sgt.s32 s20, $0xFFF  }
0x26: {  	p0 =	slt.u32 s13, $0x2;
	s20 =	smov.u32 @p1 s2;
	p1 =	sne.s32 s13, s7  }
.Ltmp1:
0x27: {  	s19 =	simm.s32 @!p0 $0x2;
	(pc) =	sbr.rel @!p1 .LBB1_6-.Ltmp1, $4  }
0x28: {  	s15 =	smov.u32 s10;
	s16 =	smov.u32 s12;
	_ =	swait.ge @!p0 [sflag:s19], $0x4000  }
0x29: {  	s9 =	sadd.s32 $0x4000, s9;
	[sflag:s19] =	ssyncset.done @!p0 $0x0;
	s10 =	smov.u32 s17  }
0x2a: {  	[sflag:s19] =	ssyncadd.s32 @!p0 $0xFFFFC000;
	s18 =	simm.s32 @p2 $0x0;
	s14 =	smov.u32 s11  }
0x2b: {  	s11 =	smov.u32 s18;
	s13 =	sadd.s32 $0x1, s13;
	s12 =	smov.u32 s20  }
.LBB1_1:
0x2c: {  	p0 =	sge.u32 s13, s5  }
0x2d: {  	s17 =	sshrl.u32 @!p0 s11, $0x3  }
0x2e: {  	s18 =	sshll.u32 @!p0 s10, $0x3;
	s17 =	smul.u32 @!p0 $0x1800, s17  }
0x2f: {  	s19 =	sshll.u32 @!p0 s11, $0x7;
	s18 =	sand.u32 @!p0 $0xFFFFFC00, s18  }
0x30: {  	s17 =	sadd.s32 @!p0 s17, s18;
	s18 =	sand.u32 @!p0 $0x380, s19  }
0x31: {  	s17 =	sor.u32 @!p0 s18, s17  }
0x32: {  	s18 =	sand.u32 @!p0 $0x7F, s10;
	s19 =	smulhi.u32 @!p0 $0xAAAAAAAB, s17  }
0x33: {  	s17 =	sor.u32 @!p0 s18, s17  }
0x34: {  	s18 =	smulhi.u32 @!p0 $0xAAAAAAAB, s17;
	s19 =	sshrl.u32 @!p0 s19, $0x9  }
0x35: {  	s20 =	smulhi.u32 @!p0 $0x3333334, s19;
	_ =	sdelay $0x1  }
0x36: {  	s18 =	sshrl.u32 @!p0 s18, $0x9;
	s20 =	smul.u32 @!p0 $0x50, s20  }
0x37: {  	s31 =	sadd.s32 $0xFFFFFFFF, s13;
	s18 =	smul.u32 @!p0 $0x300, s18  }
0x38: {  	s21 =	sxor.u32 @!p0 $0xFFFFFFFF, s13;
	s19 =	ssub.s32 @!p0 s19, s20;
	s20 =	smul.u32 @!p0 $0x1E00, s12  }
0x39: {  	s21 =	sshll.u32 @!p0 s21, $0xE;
	s17 =	ssub.s32 @!p0 s17, s18;
	s18 =	smul.u32 @!p0 $0x60, s19  }
0x3a: {  	s19 =	sand.u32 @!p0 $0x4000, s21;
	s21 =	sand.u32 @!p0 $0x7, s17;
	s20 =	sadd.s32 @!p0 s6, s20  }
0x3b: {  	s17 =	sshrl.u32 @!p0 s17, $0x3;
	s18 =	sadd.s32 @!p0 s18, s20;
	s20 =	sshll.u32 @!p0 s21, $0x12  }
0x3c: {  	s17 =	sadd.s32 @!p0 s17, s18;
	s18 =	sor.u32 @!p0 $0x80, s20;
	s20 =	simm.s32 @!p0 $0xF000  }
0x3d: {  	[tilespmem:s19], [sflag:$0x1] =	stream.strided.gather @!p0 [hbm4b:s17+s18], $0x4000, s20, s18, $0x38;
	[tilespmem:$0x10000] =	vst v63  }
0x3e: {  	p0 =	sge.u32 s31, s5  }
.Ltmp2:
0x3f: {  	_ = 	snop;
	(pc) =	sbr.rel @p0 .LBB1_5-.Ltmp2, $1  }
0x40: {  	_ =	sdelay $0x3  }
0x41: {  	s17 =	sand.u32 $0x4000, s9  }
0x42: {  	s18 =	sor.u32 $0x70, s17  }
0x43: {  	v1 =	vmov s18;
	_ =	sdelay $0x1  }
0x44: {  	_ =	swait.ge [sflag:s4], $0x4000  }
0x45: {  	[sflag:s4] =	ssyncset.done $0x0  }
0x46: {  	s19 =	simm.s32 $0x0;
	[sflag:s4] =	ssyncadd.s32 $0xFFFFC000  }
0x47: {  	s17 =	sor.u32 $0x8040, s17;
	v6 =	vld.idx.msk [tilespmem:v1+s19+$0x0 ss:$0x1], $0xffff  }
0x48: {  	v0 =	vmov s17;
	v8 =	vld.idx.msk [tilespmem:v1+s19+$0xFFFFFF90 ss:$0x1], $0xffff  }
0x49: {  	v7 =	vld.idx.msk [tilespmem:v1+s19+$0xFFFFFFA0 ss:$0x1], $0xffff  }
0x4a: {  	v5 =	vld.idx.msk [tilespmem:v1+s19+$0xFFFFFFB0 ss:$0x1], $0xffff  }
0x4b: {  	v4 =	vld.idx.msk [tilespmem:v1+s19+$0xFFFFFFC0 ss:$0x1], $0xffff  }
0x4c: {  	s31 =	sshll.u32 s13, $0xE;
	v2 =	vld.idx.msk [tilespmem:v1+s19+$0xFFFFFFD0 ss:$0x1], $0xffff  }
0x4d: {  	s17 =	sand.u32 $0x4000, s31;
	v3 =	vld.idx.msk [tilespmem:v1+s19+$0xFFFFFFE0 ss:$0x1], $0xffff;
	[tilespmem:v0+s19+$0x30 ss:$0x1] =	vst.idx.msk $0xffff, v6  }
0x4e: {  	s20 =	simm.s32 $0x400;
	s18 =	simm.s32 $0x80;
	s17 =	sor.u32 $0x8000, s17;
	[tilespmem:v0+s19+$0xFFFFFFC0 ss:$0x1] =	vst.idx.msk $0xffff, v8;
	v6 =	vld.idx.msk [tilespmem:v1+s19+$0xFFFFFFF0 ss:$0x1], $0xffff  }
.LBB1_3:
0x4f: {  	p0 =	sne.s32 s20, $0xFE00;
	v8 =	vld.idx.msk [tilespmem:v1+s18+$0x0 ss:$0x1], $0xffff;
	[tilespmem:v0+s19+$0xFFFFFFD0 ss:$0x1] =	vst.idx.msk $0xffff, v7  }
0x50: {  	v9 =	vld.idx.msk [tilespmem:v1+s18+$0xFFFFFF90 ss:$0x1], $0xffff;
	[tilespmem:v0+s19+$0xFFFFFFE0 ss:$0x1] =	vst.idx.msk $0xffff, v5  }
0x51: {  	v7 =	vld.idx.msk [tilespmem:v1+s18+$0xFFFFFFA0 ss:$0x1], $0xffff;
	[tilespmem:v0+s19+$0xFFFFFFF0 ss:$0x1] =	vst.idx.msk $0xffff, v4  }
.Ltmp3:
0x52: {  	v5 =	vld.idx.msk [tilespmem:v1+s18+$0xFFFFFFB0 ss:$0x1], $0xffff;
	[tilespmem:v0+s19+$0x0 ss:$0x1] =	vst.idx.msk $0xffff, v2;
	(pc) =	sbr.rel @p0 .LBB1_3-.Ltmp3, $4  }
0x53: {  	v4 =	vld.idx.msk [tilespmem:v1+s18+$0xFFFFFFC0 ss:$0x1], $0xffff;
	[tilespmem:v0+s19+$0x10 ss:$0x1] =	vst.idx.msk $0xffff, v3  }
0x54: {  	v2 =	vld.idx.msk [tilespmem:v1+s18+$0xFFFFFFD0 ss:$0x1], $0xffff;
	[tilespmem:v0+s19+$0x20 ss:$0x1] =	vst.idx.msk $0xffff, v6;
	s19 =	smov.u32 s18  }
0x55: {  	v3 =	vld.idx.msk [tilespmem:v1+s19+$0xFFFFFFE0 ss:$0x1], $0xffff;
	[tilespmem:v0+s19+$0x30 ss:$0x1] =	vst.idx.msk $0xffff, v8  }
0x56: {  	s18 =	sshra.s32 s20, $0x2;
	s20 =	sadd.s32 $0x200, s20;
	[tilespmem:v0+s19+$0xFFFFFFC0 ss:$0x1] =	vst.idx.msk $0xffff, v9;
	v6 =	vld.idx.msk [tilespmem:v1+s19+$0xFFFFFFF0 ss:$0x1], $0xffff  }
.Ltmp4:
0x57: {  	_ = 	snop;
	(pc) =	sbr.rel .LBB1_4-.Ltmp4, $1  }
0x58: {  	_ =	sdelay $0x3  }
.LBB1_6:
0x59: {  	_ =	sfence.sel $0x180000  }
0x5a: {  	s2 =	simm.s32 $0x1;
	[bflag:$0x0] =	sbarrier.arrive $0xFFFF  }
0x5b: {  	s31 =	simm.s32 $0x2;
	[sflag:s2] =	ssyncpa.u1 $0x1  }
0x5c: {  	[sflag:s31] =	ssyncpa.u1 $0x1  }
0x5d: {  	p0 =	sne.s32 s0, $0x0;
	_ =	strace $0x9000004A  }
0x5e: {  	s0 =	sadd.s32 @!p0 $0x100000, s1;
	[bflag:$0x2] =	sbarrier.arrive $0xFFFF  }
0x5f: {  	[sflag:s0] =	ssyncadd.tile.s32 @!p0 $0x1;
	_ =	shalt  }
.Lfunc_end1:
_tile_overlayer_lowered:
.L_overlay_start_2:
0x60: {  	(tag) =	ssettag $0x2  }
0x61: {  	s0 =	rddreg [dreg:$0x0];
	s2 =	stileid.u32  }
0x62: {  	s1 =	rddreg [dreg:$0x1];
	p0 =	sne.s32 s2, $0x0  }
0x63: {  	s3 =	rddreg [dreg:$0x2];
	[bflag:$0x3] =	sbarrier.arrive $0xFFFF;
	s2 =	simm.s32 @!p0 $0x1C01  }
0x64: {  	[timem:s3], [sflag:s2] =	dma.local @!p0 [hbm:s0], s1  }
0x65: {  	s0 =	simm.s32 @!p0 $0x1  }
0x66: {  	_ =	swait.ge @!p0 [sflag:s0], s1  }
0x67: {  	s1 =	ssub.s32 @!p0 $0x0, s1;
	[sflag:s0] =	ssyncset.done @!p0 $0x0  }
0x68: {  	[sflag:s0] =	ssyncadd.s32 @!p0 s1  }
0x69: {  	[bflag:$0x3] =	sbarrier.arrive $0xFFFF  }
0x6a: {  	_ =	shalt  }

</sc_bundles>
